<compile_context>
chip_gen: v7x
topology: tpu7x:2x2x1
jax: 0.10.2.dev20260603
libtpu: 0.0.44.dev20260713+nightly
codegen_flags: <defaults>
</compile_context>

<pallas_src>
import jax
import jax.numpy as jnp
from jax import lax
from jax.experimental import pallas as pl
from jax.experimental.pallas import tpu as pltpu
from jax.experimental.pallas import tpu_sc as plsc

_BUCKET_NUM = 50
_FEATURE_DIM = 64
_N = 262144
_CLIP_MIN, _CLIP_MAX = 0.1, 10.0
_START_SMOOTH = 1

_NC, _NS = 2, 16
_NW = _NC * _NS
_SPW = _N // _NW
_L = 16
_TBL = _BUCKET_NUM * _FEATURE_DIM
_TPAD = 64
_B = 16384


def _nr_sqrt(r):
    i = lax.bitcast_convert_type(r, jnp.int32)
    i = jnp.int32(0x5F3759DF) - lax.shift_right_arithmetic(i, jnp.int32(1))
    y = lax.bitcast_convert_type(i, jnp.float32)
    for _ in range(3):
        y = y * (1.5 - 0.5 * r * y * y)
    return r * y


def _sc_body(lab_hbm, edges_hbm, gate_hbm, m1_hbm, v1_hbm, m2_hbm, v2_hbm,
             idx_hbm, scale_hbm, bias_hbm,
             m1_v, s_v, m2_v, b_v, edges_v, gate_v, lab_v, idx_v, s2_v, b2_v):
    wid = lax.axis_index("s") * _NC + lax.axis_index("c")
    base = wid * _SPW

    pltpu.sync_copy(edges_hbm, edges_v)
    pltpu.sync_copy(lab_hbm.at[pl.ds(base, _SPW)], lab_v)

    @pl.when(wid == 0)
    def _():
        pltpu.sync_copy(gate_hbm, gate_v)
        pltpu.sync_copy(m1_hbm, m1_v)
        pltpu.sync_copy(v1_hbm, s_v)
        pltpu.sync_copy(m2_hbm, m2_v)
        pltpu.sync_copy(v2_hbm, b_v)
        gv = gate_v[pl.ds(0, _L)]

        def tbl_body(i, _):
            sl = pl.ds(i * _L, _L)
            v1 = s_v[sl]
            v2 = b_v[sl]
            m1 = m1_v[sl]
            m2 = m2_v[sl]
            r = jnp.minimum(jnp.maximum(v2 / v1, _CLIP_MIN), _CLIP_MAX)
            s_raw = _nr_sqrt(r)
            row = i // (_FEATURE_DIM // _L)
            col = (i % (_FEATURE_DIM // _L)) * _L
            s2_v[row, pl.ds(col, _L)] = 1.0 + gv * (s_raw - 1.0)
            b2_v[row, pl.ds(col, _L)] = gv * (m2 - m1 * s_raw)
            return 0

        lax.fori_loop(0, _TBL // _L, tbl_body, 0)

        z = jnp.zeros((_L,), jnp.float32)

        def pad_body(i, _):
            row = _BUCKET_NUM + i // (_FEATURE_DIM // _L)
            col = (i % (_FEATURE_DIM // _L)) * _L
            s2_v[row, pl.ds(col, _L)] = z
            b2_v[row, pl.ds(col, _L)] = z
            return 0

        lax.fori_loop(0, (_TPAD - _BUCKET_NUM) * (_FEATURE_DIM // _L), pad_body, 0)
        pltpu.sync_copy(s2_v, scale_hbm)
        pltpu.sync_copy(b2_v, bias_hbm)

    def group_body(gi, _):
        s0 = gi * _L
        labv = lab_v[pl.ds(s0, _L)]
        k0 = labv * 10.0
        k0 = jnp.minimum(jnp.maximum(k0.astype(jnp.int32), 0), _BUCKET_NUM - 1)
        e_lo = plsc.load_gather(edges_v, [k0])
        e_hi = plsc.load_gather(edges_v, [k0 + 1])
        b16 = k0 - (labv < e_lo).astype(jnp.int32) + (labv >= e_hi).astype(jnp.int32)
        b16 = jnp.minimum(jnp.maximum(b16, 0), _BUCKET_NUM - 1)
        idx_v[pl.ds(s0, _L)] = b16
        return 0

    lax.fori_loop(0, _SPW // _L, group_body, 0)
    pltpu.sync_copy(idx_v, idx_hbm.at[pl.ds(base, _SPW)])


def _tc_body(f_ref, i_ref, s_ref, b_ref, o_ref):
    idxb = i_ref[...]
    cols = lax.broadcasted_iota(jnp.int32, (_B, _TPAD), 1)
    oh = (idxb[:, None] == cols).astype(jnp.float32)
    rs = jnp.dot(oh, s_ref[...], preferred_element_type=jnp.float32)
    rb = jnp.dot(oh, b_ref[...], preferred_element_type=jnp.float32)
    o_ref[...] = f_ref[...] * rs + rb


@jax.jit
def _fds_smooth(features, labels, gate, m1, v1, m2, v2):
    edges = jnp.linspace(0.0, 5.0, _BUCKET_NUM + 1)
    edges_pad = jnp.concatenate([edges, jnp.full((13,), 3.0e38, jnp.float32)])
    mesh = plsc.VectorSubcoreMesh(core_axis_name="c", subcore_axis_name="s")
    bin_kernel = pl.kernel(
        _sc_body,
        out_type=(
            jax.ShapeDtypeStruct((_N,), jnp.int32),
            jax.ShapeDtypeStruct((_TPAD, _FEATURE_DIM), jnp.float32),
            jax.ShapeDtypeStruct((_TPAD, _FEATURE_DIM), jnp.float32),
        ),
        mesh=mesh,
        compiler_params=pltpu.CompilerParams(needs_layout_passes=False,
                                             use_tc_tiling_on_sc=True),
        scratch_types=[
            pltpu.VMEM((_TBL,), jnp.float32),
            pltpu.VMEM((_TBL,), jnp.float32),
            pltpu.VMEM((_TBL,), jnp.float32),
            pltpu.VMEM((_TBL,), jnp.float32),
            pltpu.VMEM((64,), jnp.float32),
            pltpu.VMEM((_L,), jnp.float32),
            pltpu.VMEM((_SPW,), jnp.float32),
            pltpu.VMEM((_SPW,), jnp.int32),
            pltpu.VMEM((_TPAD, _FEATURE_DIM), jnp.float32),
            pltpu.VMEM((_TPAD, _FEATURE_DIM), jnp.float32),
        ],
    )
    idx, scale_t, bias_t = bin_kernel(
        labels.reshape(_N),
        edges_pad,
        jnp.full((_L,), gate, jnp.float32),
        m1.reshape(_TBL),
        v1.reshape(_TBL),
        m2.reshape(_TBL),
        v2.reshape(_TBL),
    )
    return pl.pallas_call(
        _tc_body,
        grid=(_N // _B,),
        in_specs=[
            pl.BlockSpec((_B, _FEATURE_DIM), lambda i: (i, 0)),
            pl.BlockSpec((_B,), lambda i: (i,)),
            pl.BlockSpec((_TPAD, _FEATURE_DIM), lambda i: (0, 0)),
            pl.BlockSpec((_TPAD, _FEATURE_DIM), lambda i: (0, 0)),
        ],
        out_specs=pl.BlockSpec((_B, _FEATURE_DIM), lambda i: (i, 0)),
        out_shape=jax.ShapeDtypeStruct((_N, _FEATURE_DIM), jnp.float32),
        compiler_params=pltpu.CompilerParams(
            dimension_semantics=("arbitrary",),
            vmem_limit_bytes=100 * 1024 * 1024),
    )(features, idx, scale_t, bias_t)


def kernel(features, labels, epoch, running_mean_last_epoch, running_var_last_epoch,
           smoothed_mean_last_epoch, smoothed_var_last_epoch):
    gate = jnp.where(epoch < _START_SMOOTH, 0.0, 1.0).astype(jnp.float32)
    return _fds_smooth(features, labels, gate,
                       running_mean_last_epoch, running_var_last_epoch,
                       smoothed_mean_last_epoch, smoothed_var_last_epoch)

# --- scband reference (transcript-rebuilt; emitter-appended) ---
"""Pipeline reference for scband-fds-58583353917954 (READ-ONLY COPY).

The authoritative reference and input builder live on the scoring server;
editing this copy changes nothing except your own understanding.
"""

import jax, jax.numpy as jnp
import numpy as np

BUCKET_NUM = 50
BUCKET_START = 0
FEATURE_DIM = 64
START_SMOOTH = 1
N = 262144
CLIP_MIN, CLIP_MAX = 0.1, 10.0


def setup_inputs(seed: int = 0) -> dict:
    key = jax.random.key(seed)
    k1, k2, k3, k4, k5, k6 = jax.random.split(key, 6)
    nb = BUCKET_NUM - BUCKET_START
    features = jax.random.normal(k1, (N, FEATURE_DIM), dtype=jnp.float32)
    labels = jax.random.uniform(k2, (N, 1), dtype=jnp.float32)  # in [0,1) subset of [0,5]
    # buffers of the module (last-epoch running stats and their smoothed versions)
    running_mean_last_epoch = jax.random.normal(k3, (nb, FEATURE_DIM), dtype=jnp.float32) * 0.1
    running_var_last_epoch = jax.random.uniform(k4, (nb, FEATURE_DIM), dtype=jnp.float32, minval=0.5, maxval=1.5)
    smoothed_mean_last_epoch = jax.random.normal(k5, (nb, FEATURE_DIM), dtype=jnp.float32) * 0.1
    smoothed_var_last_epoch = jax.random.uniform(k6, (nb, FEATURE_DIM), dtype=jnp.float32, minval=0.5, maxval=1.5)
    return {
        "features": features,
        "labels": labels,
        "epoch": 1,
        "running_mean_last_epoch": running_mean_last_epoch,
        "running_var_last_epoch": running_var_last_epoch,
        "smoothed_mean_last_epoch": smoothed_mean_last_epoch,
        "smoothed_var_last_epoch": smoothed_var_last_epoch,
    }


def _get_bucket_idx(labels_flat):
    # replicates np.histogram bin edges over range (0, 5) with BUCKET_NUM bins,
    # then np.where(bins_edges > label)[0][0] - 1, clamped to bucket_start,
    # with label == 5.0 mapping to the last bucket.
    edges = jnp.linspace(0.0, 5.0, BUCKET_NUM + 1)
    idx = jnp.searchsorted(edges, labels_flat, side='right') - 1
    idx = jnp.where(labels_flat >= 5.0, BUCKET_NUM - 1, idx)
    idx = jnp.clip(idx, BUCKET_START, BUCKET_NUM - 1)
    return (idx - BUCKET_START).astype(jnp.int32)


def reference(features, labels, epoch, running_mean_last_epoch, running_var_last_epoch,
              smoothed_mean_last_epoch, smoothed_var_last_epoch):
    # FDS.smooth: if epoch < start_smooth return features unchanged,
    # otherwise calibrate per-sample mean/var based on the label bucket.
    labels_flat = labels.squeeze(1)
    b = _get_bucket_idx(labels_flat)
    # gather per-sample bucket statistics (memory-bound gather)
    m1 = jnp.take(running_mean_last_epoch, b, axis=0)
    v1 = jnp.take(running_var_last_epoch, b, axis=0)
    m2 = jnp.take(smoothed_mean_last_epoch, b, axis=0)
    v2 = jnp.take(smoothed_var_last_epoch, b, axis=0)
    # calibrate_mean_var (v1 > 0 everywhere for this setup, so the main branch applies)
    factor = jnp.clip(v2 / v1, CLIP_MIN, CLIP_MAX)
    calibrated = (features - m1) * jnp.sqrt(factor) + m2
    return jnp.where(epoch < START_SMOOTH, features, calibrated)

if __name__ == "__main__":
    import jax
    _d = setup_inputs()
    print(jax.jit(kernel)(*tuple(_d.values())))

</pallas_src>

<mosaic_0001>
#map = affine_map<(d0, d1) -> (0)>
#map1 = affine_map<(d0, d1) -> (0, 0)>
module attributes {stable_mosaic.version = 14 : i64} {
  func.func @_sc_body(%arg0: i32, %arg1: i32, %arg2: memref<262144xf32, #tpu.memory_space<hbm>>, %arg3: memref<64xf32, #tpu.memory_space<hbm>>, %arg4: memref<16xf32, #tpu.memory_space<hbm>>, %arg5: memref<3200xf32, #tpu.memory_space<hbm>>, %arg6: memref<3200xf32, #tpu.memory_space<hbm>>, %arg7: memref<3200xf32, #tpu.memory_space<hbm>>, %arg8: memref<3200xf32, #tpu.memory_space<hbm>>, %arg9: memref<262144xi32, #tpu.memory_space<hbm>>, %arg10: memref<64x64xf32, #tpu.memory_space<hbm>>, %arg11: memref<64x64xf32, #tpu.memory_space<hbm>>, %arg12: memref<3200xf32, #tpu.memory_space<vmem>>, %arg13: memref<3200xf32, #tpu.memory_space<vmem>>, %arg14: memref<3200xf32, #tpu.memory_space<vmem>>, %arg15: memref<3200xf32, #tpu.memory_space<vmem>>, %arg16: memref<64xf32, #tpu.memory_space<vmem>>, %arg17: memref<16xf32, #tpu.memory_space<vmem>>, %arg18: memref<8192xf32, #tpu.memory_space<vmem>>, %arg19: memref<8192xi32, #tpu.memory_space<vmem>>, %arg20: memref<64x64xf32, #tpu.memory_space<vmem>>, %arg21: memref<64x64xf32, #tpu.memory_space<vmem>>) attributes {dimension_semantics = [#tpu.dimension_semantics<core_parallel>, #tpu.dimension_semantics<subcore_parallel>], iteration_bounds = array<i64: 2, 16>, scalar_prefetch = 0 : i64, scratch_operands = 10 : i64, tpu.core_type = #tpu.core_type<sc_vector_subcore>, window_params = [{transform_indices = #map}, {transform_indices = #map}, {transform_indices = #map}, {transform_indices = #map}, {transform_indices = #map}, {transform_indices = #map}, {transform_indices = #map}, {transform_indices = #map}, {transform_indices = #map1}, {transform_indices = #map1}]} {
    %mul3A = arith.constant 2 : i32
    %mul3A_0 = arith.muli %arg1, %mul3A : i32
    %add3A = arith.addi %mul3A_0, %arg0 : i32
    %mul3A_1 = arith.constant 8192 : i32
    %mul3A_2 = arith.muli %add3A, %mul3A_1 : i32
    "tpu.region"() ({
      %run_scoped3A = tpu.sem_alloc : memref<!tpu.dma_semaphore, #tpu.memory_space<semaphore_mem>>
      tpu.enqueue_dma source(%arg3 : memref<64xf32, #tpu.memory_space<hbm>>) target(%arg16 : memref<64xf32, #tpu.memory_space<vmem>>) target_semaphore(%run_scoped3A : memref<!tpu.dma_semaphore, #tpu.memory_space<semaphore_mem>>)
      tpu.wait_dma2 semaphore(%run_scoped3A : memref<!tpu.dma_semaphore, #tpu.memory_space<semaphore_mem>>) src(%arg3 : memref<64xf32, #tpu.memory_space<hbm>>) dst(%arg16 : memref<64xf32, #tpu.memory_space<vmem>>)
      tpu.yield
    }) : () -> ()
    "tpu.region"() ({
      %run_scoped3A = tpu.sem_alloc : memref<!tpu.dma_semaphore, #tpu.memory_space<semaphore_mem>>
      %dma_start3A = tpu.memref_slice %arg2[%mul3A_2] : memref<262144xf32, #tpu.memory_space<hbm>> -> memref<8192xf32, #tpu.memory_space<hbm>>
      %dma_start3A_11 = tpu.memref_slice %arg2[%mul3A_2] : memref<262144xf32, #tpu.memory_space<hbm>> -> memref<8192xf32, #tpu.memory_space<hbm>>
      tpu.enqueue_dma source(%dma_start3A_11 : memref<8192xf32, #tpu.memory_space<hbm>>) target(%arg18 : memref<8192xf32, #tpu.memory_space<vmem>>) target_semaphore(%run_scoped3A : memref<!tpu.dma_semaphore, #tpu.memory_space<semaphore_mem>>)
      %dma_wait3A = tpu.memref_slice %arg2[%mul3A_2] : memref<262144xf32, #tpu.memory_space<hbm>> -> memref<8192xf32, #tpu.memory_space<hbm>>
      %dma_wait3A_12 = tpu.memref_slice %arg2[%mul3A_2] : memref<262144xf32, #tpu.memory_space<hbm>> -> memref<8192xf32, #tpu.memory_space<hbm>>
      tpu.wait_dma2 semaphore(%run_scoped3A : memref<!tpu.dma_semaphore, #tpu.memory_space<semaphore_mem>>) src(%dma_wait3A_12 : memref<8192xf32, #tpu.memory_space<hbm>>) dst(%arg18 : memref<8192xf32, #tpu.memory_space<vmem>>)
      tpu.yield
    }) : () -> ()
    %eq3A = arith.constant 0 : i32
    %eq3A_3 = arith.cmpi eq, %add3A, %eq3A : i32
    %convert_element_type3A = arith.extui %eq3A_3 : i1 to i32
    %cond3A = arith.constant 0 : i32
    %cond3A_4 = arith.cmpi ne, %convert_element_type3A, %cond3A : i32
    scf.if %cond3A_4 {
      "tpu.region"() ({
        %run_scoped3A = tpu.sem_alloc : memref<!tpu.dma_semaphore, #tpu.memory_space<semaphore_mem>>
        tpu.enqueue_dma source(%arg4 : memref<16xf32, #tpu.memory_space<hbm>>) target(%arg17 : memref<16xf32, #tpu.memory_space<vmem>>) target_semaphore(%run_scoped3A : memref<!tpu.dma_semaphore, #tpu.memory_space<semaphore_mem>>)
        tpu.wait_dma2 semaphore(%run_scoped3A : memref<!tpu.dma_semaphore, #tpu.memory_space<semaphore_mem>>) src(%arg4 : memref<16xf32, #tpu.memory_space<hbm>>) dst(%arg17 : memref<16xf32, #tpu.memory_space<vmem>>)
        tpu.yield
      }) : () -> ()
      "tpu.region"() ({
        %run_scoped3A = tpu.sem_alloc : memref<!tpu.dma_semaphore, #tpu.memory_space<semaphore_mem>>
        tpu.enqueue_dma source(%arg5 : memref<3200xf32, #tpu.memory_space<hbm>>) target(%arg12 : memref<3200xf32, #tpu.memory_space<vmem>>) target_semaphore(%run_scoped3A : memref<!tpu.dma_semaphore, #tpu.memory_space<semaphore_mem>>)
        tpu.wait_dma2 semaphore(%run_scoped3A : memref<!tpu.dma_semaphore, #tpu.memory_space<semaphore_mem>>) src(%arg5 : memref<3200xf32, #tpu.memory_space<hbm>>) dst(%arg12 : memref<3200xf32, #tpu.memory_space<vmem>>)
        tpu.yield
      }) : () -> ()
      "tpu.region"() ({
        %run_scoped3A = tpu.sem_alloc : memref<!tpu.dma_semaphore, #tpu.memory_space<semaphore_mem>>
        tpu.enqueue_dma source(%arg6 : memref<3200xf32, #tpu.memory_space<hbm>>) target(%arg13 : memref<3200xf32, #tpu.memory_space<vmem>>) target_semaphore(%run_scoped3A : memref<!tpu.dma_semaphore, #tpu.memory_space<semaphore_mem>>)
        tpu.wait_dma2 semaphore(%run_scoped3A : memref<!tpu.dma_semaphore, #tpu.memory_space<semaphore_mem>>) src(%arg6 : memref<3200xf32, #tpu.memory_space<hbm>>) dst(%arg13 : memref<3200xf32, #tpu.memory_space<vmem>>)
        tpu.yield
      }) : () -> ()
      "tpu.region"() ({
        %run_scoped3A = tpu.sem_alloc : memref<!tpu.dma_semaphore, #tpu.memory_space<semaphore_mem>>
        tpu.enqueue_dma source(%arg7 : memref<3200xf32, #tpu.memory_space<hbm>>) target(%arg14 : memref<3200xf32, #tpu.memory_space<vmem>>) target_semaphore(%run_scoped3A : memref<!tpu.dma_semaphore, #tpu.memory_space<semaphore_mem>>)
        tpu.wait_dma2 semaphore(%run_scoped3A : memref<!tpu.dma_semaphore, #tpu.memory_space<semaphore_mem>>) src(%arg7 : memref<3200xf32, #tpu.memory_space<hbm>>) dst(%arg14 : memref<3200xf32, #tpu.memory_space<vmem>>)
        tpu.yield
      }) : () -> ()
      "tpu.region"() ({
        %run_scoped3A = tpu.sem_alloc : memref<!tpu.dma_semaphore, #tpu.memory_space<semaphore_mem>>
        tpu.enqueue_dma source(%arg8 : memref<3200xf32, #tpu.memory_space<hbm>>) target(%arg15 : memref<3200xf32, #tpu.memory_space<vmem>>) target_semaphore(%run_scoped3A : memref<!tpu.dma_semaphore, #tpu.memory_space<semaphore_mem>>)
        tpu.wait_dma2 semaphore(%run_scoped3A : memref<!tpu.dma_semaphore, #tpu.memory_space<semaphore_mem>>) src(%arg8 : memref<3200xf32, #tpu.memory_space<hbm>>) dst(%arg15 : memref<3200xf32, #tpu.memory_space<vmem>>)
        tpu.yield
      }) : () -> ()
      %get3A = arith.constant 0 : index
      %get3A_11 = tpu.vector_load %arg17[%get3A] {strides = array<i32>} : memref<16xf32, #tpu.memory_space<vmem>>, vector<16xf32>,
      %scan3A_12 = arith.constant 0 : i32
      %scan3A_13 = arith.constant 0 : i32
      %scan3A_14 = arith.constant 200 : i32
      %scan3A_15 = arith.addi %scan3A_13, %scan3A_14 : i32
      %scan3A_16 = arith.constant 1 : i32
      %scan3A_17 = scf.for %scan3A_27 = %scan3A_13 to %scan3A_15 step %scan3A_16 iter_args(%scan3A_28 = %scan3A_12) -> (i32)  : i32 {
        %mul3A_29 = arith.constant 16 : i32
        %mul3A_30 = arith.muli %scan3A_27, %mul3A_29 : i32
        %get3A_31 = arith.index_cast %mul3A_30 : i32 to index
        %get3A_32 = tpu.vector_load %arg13[%get3A_31] {strides = array<i32>} : memref<3200xf32, #tpu.memory_space<vmem>>, vector<16xf32>,
        %get3A_33 = arith.index_cast %mul3A_30 : i32 to index
        %get3A_34 = tpu.vector_load %arg15[%get3A_33] {strides = array<i32>} : memref<3200xf32, #tpu.memory_space<vmem>>, vector<16xf32>,
        %get3A_35 = arith.index_cast %mul3A_30 : i32 to index
        %get3A_36 = tpu.vector_load %arg12[%get3A_35] {strides = array<i32>} : memref<3200xf32, #tpu.memory_space<vmem>>, vector<16xf32>,
        %get3A_37 = arith.index_cast %mul3A_30 : i32 to index
        %get3A_38 = tpu.vector_load %arg14[%get3A_37] {strides = array<i32>} : memref<3200xf32, #tpu.memory_space<vmem>>, vector<16xf32>,
        %div3A = arith.divf %get3A_34, %get3A_32 : vector<16xf32>
        %max3A = arith.constant 1.000000e-01 : f32
        %max3A_39 = vector.broadcast %max3A : f32 to vector<16xf32>
        %max3A_40 = arith.maximumf %div3A, %max3A_39 : vector<16xf32>
        %min3A = arith.constant 1.000000e+01 : f32
        %min3A_41 = vector.broadcast %min3A : f32 to vector<16xf32>
        %min3A_42 = arith.minimumf %max3A_40, %min3A_41 : vector<16xf32>
        %bitcast_convert_type3A = tpu.bitcast %min3A_42 : vector<16xf32> -> vector<16xi32>
        %shift_right_arithmetic3A = arith.constant 1 : i32
        %shift_right_arithmetic3A_43 = vector.broadcast %shift_right_arithmetic3A : i32 to vector<16xi32>
        %shift_right_arithmetic3A_44 = arith.shrsi %bitcast_convert_type3A, %shift_right_arithmetic3A_43 : vector<16xi32>
        %sub3A = arith.constant 1597463007 : i32
        %sub3A_45 = vector.broadcast %sub3A : i32 to vector<16xi32>
        %sub3A_46 = arith.subi %sub3A_45, %shift_right_arithmetic3A_44 : vector<16xi32>
        %bitcast_convert_type3A_47 = tpu.bitcast %sub3A_46 : vector<16xi32> -> vector<16xf32>
        %mul3A_48 = arith.constant 5.000000e-01 : f32
        %mul3A_49 = vector.broadcast %mul3A_48 : f32 to vector<16xf32>
        %mul3A_50 = arith.mulf %mul3A_49, %min3A_42 : vector<16xf32>
        %mul3A_51 = arith.mulf %mul3A_50, %bitcast_convert_type3A_47 : vector<16xf32>
        %mul3A_52 = arith.mulf %mul3A_51, %bitcast_convert_type3A_47 : vector<16xf32>
        %sub3A_53 = arith.constant 1.500000e+00 : f32
        %sub3A_54 = vector.broadcast %sub3A_53 : f32 to vector<16xf32>
        %sub3A_55 = arith.subf %sub3A_54, %mul3A_52 : vector<16xf32>
        %mul3A_56 = arith.mulf %bitcast_convert_type3A_47, %sub3A_55 : vector<16xf32>
        %mul3A_57 = arith.constant 5.000000e-01 : f32
        %mul3A_58 = vector.broadcast %mul3A_57 : f32 to vector<16xf32>
        %mul3A_59 = arith.mulf %mul3A_58, %min3A_42 : vector<16xf32>
        %mul3A_60 = arith.mulf %mul3A_59, %mul3A_56 : vector<16xf32>
        %mul3A_61 = arith.mulf %mul3A_60, %mul3A_56 : vector<16xf32>
        %sub3A_62 = arith.constant 1.500000e+00 : f32
        %sub3A_63 = vector.broadcast %sub3A_62 : f32 to vector<16xf32>
        %sub3A_64 = arith.subf %sub3A_63, %mul3A_61 : vector<16xf32>
        %mul3A_65 = arith.mulf %mul3A_56, %sub3A_64 : vector<16xf32>
        %mul3A_66 = arith.constant 5.000000e-01 : f32
        %mul3A_67 = vector.broadcast %mul3A_66 : f32 to vector<16xf32>
        %mul3A_68 = arith.mulf %mul3A_67, %min3A_42 : vector<16xf32>
        %mul3A_69 = arith.mulf %mul3A_68, %mul3A_65 : vector<16xf32>
        %mul3A_70 = arith.mulf %mul3A_69, %mul3A_65 : vector<16xf32>
        %sub3A_71 = arith.constant 1.500000e+00 : f32
        %sub3A_72 = vector.broadcast %sub3A_71 : f32 to vector<16xf32>
        %sub3A_73 = arith.subf %sub3A_72, %mul3A_70 : vector<16xf32>
        %mul3A_74 = arith.mulf %mul3A_65, %sub3A_73 : vector<16xf32>
        %mul3A_75 = arith.mulf %min3A_42, %mul3A_74 : vector<16xf32>
        %jit3A = arith.constant 4 : i32
        %div3A_76 = arith.divsi %scan3A_27, %jit3A : i32
        %sign3A = arith.constant 0 : i32
        %sign3A_77 = arith.cmpi sgt, %scan3A_27, %sign3A : i32
        %sign3A_78 = arith.extui %sign3A_77 : i1 to i32
        %sign3A_79 = arith.constant 0 : i32
        %sign3A_80 = arith.cmpi slt, %scan3A_27, %sign3A_79 : i32
        %sign3A_81 = arith.extui %sign3A_80 : i1 to i32
        %sign3A_82 = arith.subi %sign3A_78, %sign3A_81 : i32
        %sign3A_83 = arith.constant 0 : i32
        %sign3A_84 = arith.cmpi sgt, %jit3A, %sign3A_83 : i32
        %sign3A_85 = arith.extui %sign3A_84 : i1 to i32
        %sign3A_86 = arith.constant 0 : i32
        %sign3A_87 = arith.cmpi slt, %jit3A, %sign3A_86 : i32
        %sign3A_88 = arith.extui %sign3A_87 : i1 to i32
        %sign3A_89 = arith.subi %sign3A_85, %sign3A_88 : i32
        %ne3A = arith.cmpi ne, %sign3A_82, %sign3A_89 : i32
        %rem3A = arith.remsi %scan3A_27, %jit3A : i32
        %ne3A_90 = arith.constant 0 : i32
        %ne3A_91 = arith.cmpi ne, %rem3A, %ne3A_90 : i32
        %and3A = arith.andi %ne3A, %ne3A_91 : i1
        %sub3A_92 = arith.constant 1 : i32
        %sub3A_93 = arith.subi %div3A_76, %sub3A_92 : i32
        %select_n3A = arith.select %and3A, %sub3A_93, %div3A_76 : i32
        %jit3A_94 = arith.constant 4 : i32
        %eq3A_95 = arith.constant 0 : i32
        %eq3A_96 = arith.cmpi eq, %jit3A_94, %eq3A_95 : i32
        %jit3A_97 = arith.constant 1 : i32
        %select_n3A_98 = arith.select %eq3A_96, %jit3A_97, %jit3A_94 : i32
        %rem3A_99 = arith.remsi %scan3A_27, %select_n3A_98 : i32
        %ne3A_100 = arith.constant 0 : i32
        %ne3A_101 = arith.cmpi ne, %rem3A_99, %ne3A_100 : i32
        %lt3A = arith.constant 0 : i32
        %lt3A_102 = arith.cmpi slt, %rem3A_99, %lt3A : i32
        %lt3A_103 = arith.constant 0 : i32
        %lt3A_104 = arith.cmpi slt, %select_n3A_98, %lt3A_103 : i32
        %ne3A_105 = arith.xori %lt3A_102, %lt3A_104 : i1
        %and3A_106 = arith.andi %ne3A_105, %ne3A_101 : i1
        %add3A_107 = arith.addi %rem3A_99, %select_n3A_98 : i32
        %select_n3A_108 = arith.select %and3A_106, %add3A_107, %rem3A_99 : i32
        %mul3A_109 = arith.constant 16 : i32
        %mul3A_110 = arith.muli %select_n3A_108, %mul3A_109 : i32
        %sub3A_111 = arith.constant 1.000000e+00 : f32
        %sub3A_112 = vector.broadcast %sub3A_111 : f32 to vector<16xf32>
        %sub3A_113 = arith.subf %mul3A_75, %sub3A_112 : vector<16xf32>
        %mul3A_114 = arith.mulf %get3A_11, %sub3A_113 : vector<16xf32>
        %add3A_115 = arith.constant 1.000000e+00 : f32
        %add3A_116 = vector.broadcast %add3A_115 : f32 to vector<16xf32>
        %add3A_117 = arith.addf %add3A_116, %mul3A_114 : vector<16xf32>
        %swap3A = arith.index_cast %select_n3A : i32 to index
        %swap3A_118 = arith.index_cast %mul3A_110 : i32 to index
        %swap3A_119 = tpu.vector_load %arg20[%swap3A, %swap3A_118] {strides = array<i32>} : memref<64x64xf32, #tpu.memory_space<vmem>>, vector<16xf32>,
        tpu.vector_store %arg20[%swap3A, %swap3A_118], %add3A_117 {strides = array<i32>} : memref<64x64xf32, #tpu.memory_space<vmem>>, vector<16xf32>,
        %mul3A_120 = arith.mulf %get3A_36, %mul3A_75 : vector<16xf32>
        %sub3A_121 = arith.subf %get3A_38, %mul3A_120 : vector<16xf32>
        %mul3A_122 = arith.mulf %get3A_11, %sub3A_121 : vector<16xf32>
        %swap3A_123 = arith.index_cast %select_n3A : i32 to index
        %swap3A_124 = arith.index_cast %mul3A_110 : i32 to index
        %swap3A_125 = tpu.vector_load %arg21[%swap3A_123, %swap3A_124] {strides = array<i32>} : memref<64x64xf32, #tpu.memory_space<vmem>>, vector<16xf32>,
        tpu.vector_store %arg21[%swap3A_123, %swap3A_124], %mul3A_122 {strides = array<i32>} : memref<64x64xf32, #tpu.memory_space<vmem>>, vector<16xf32>,
        %scan3A_126 = arith.constant 0 : i32
        scf.yield %scan3A_126 : i32
      }
      %scan3A_18 = arith.constant 200 : i32
      %broadcast_in_dim3A = arith.constant 0.000000e+00 : f32
      %broadcast_in_dim3A_19 = vector.broadcast %broadcast_in_dim3A : f32 to vector<16xf32>
      %scan3A_20 = arith.constant 0 : i32
      %scan3A_21 = arith.constant 0 : i32
      %scan3A_22 = arith.constant 56 : i32
      %scan3A_23 = arith.addi %scan3A_21, %scan3A_22 : i32
      %scan3A_24 = arith.constant 1 : i32
      %scan3A_25 = scf.for %scan3A_27 = %scan3A_21 to %scan3A_23 step %scan3A_24 iter_args(%scan3A_28 = %scan3A_20) -> (i32)  : i32 {
        %jit3A = arith.constant 4 : i32
        %div3A = arith.divsi %scan3A_27, %jit3A : i32
        %sign3A = arith.constant 0 : i32
        %sign3A_29 = arith.cmpi sgt, %scan3A_27, %sign3A : i32
        %sign3A_30 = arith.extui %sign3A_29 : i1 to i32
        %sign3A_31 = arith.constant 0 : i32
        %sign3A_32 = arith.cmpi slt, %scan3A_27, %sign3A_31 : i32
        %sign3A_33 = arith.extui %sign3A_32 : i1 to i32
        %sign3A_34 = arith.subi %sign3A_30, %sign3A_33 : i32
        %sign3A_35 = arith.constant 0 : i32
        %sign3A_36 = arith.cmpi sgt, %jit3A, %sign3A_35 : i32
        %sign3A_37 = arith.extui %sign3A_36 : i1 to i32
        %sign3A_38 = arith.constant 0 : i32
        %sign3A_39 = arith.cmpi slt, %jit3A, %sign3A_38 : i32
        %sign3A_40 = arith.extui %sign3A_39 : i1 to i32
        %sign3A_41 = arith.subi %sign3A_37, %sign3A_40 : i32
        %ne3A = arith.cmpi ne, %sign3A_34, %sign3A_41 : i32
        %rem3A = arith.remsi %scan3A_27, %jit3A : i32
        %ne3A_42 = arith.constant 0 : i32
        %ne3A_43 = arith.cmpi ne, %rem3A, %ne3A_42 : i32
        %and3A = arith.andi %ne3A, %ne3A_43 : i1
        %sub3A = arith.constant 1 : i32
        %sub3A_44 = arith.subi %div3A, %sub3A : i32
        %select_n3A = arith.select %and3A, %sub3A_44, %div3A : i32
        %add3A_45 = arith.constant 50 : i32
        %add3A_46 = arith.addi %add3A_45, %select_n3A : i32
        %jit3A_47 = arith.constant 4 : i32
        %eq3A_48 = arith.constant 0 : i32
        %eq3A_49 = arith.cmpi eq, %jit3A_47, %eq3A_48 : i32
        %jit3A_50 = arith.constant 1 : i32
        %select_n3A_51 = arith.select %eq3A_49, %jit3A_50, %jit3A_47 : i32
        %rem3A_52 = arith.remsi %scan3A_27, %select_n3A_51 : i32
        %ne3A_53 = arith.constant 0 : i32
        %ne3A_54 = arith.cmpi ne, %rem3A_52, %ne3A_53 : i32
        %lt3A = arith.constant 0 : i32
        %lt3A_55 = arith.cmpi slt, %rem3A_52, %lt3A : i32
        %lt3A_56 = arith.constant 0 : i32
        %lt3A_57 = arith.cmpi slt, %select_n3A_51, %lt3A_56 : i32
        %ne3A_58 = arith.xori %lt3A_55, %lt3A_57 : i1
        %and3A_59 = arith.andi %ne3A_58, %ne3A_54 : i1
        %add3A_60 = arith.addi %rem3A_52, %select_n3A_51 : i32
        %select_n3A_61 = arith.select %and3A_59, %add3A_60, %rem3A_52 : i32
        %mul3A_62 = arith.constant 16 : i32
        %mul3A_63 = arith.muli %select_n3A_61, %mul3A_62 : i32
        %swap3A = arith.index_cast %add3A_46 : i32 to index
        %swap3A_64 = arith.index_cast %mul3A_63 : i32 to index
        %swap3A_65 = tpu.vector_load %arg20[%swap3A, %swap3A_64] {strides = array<i32>} : memref<64x64xf32, #tpu.memory_space<vmem>>, vector<16xf32>,
        tpu.vector_store %arg20[%swap3A, %swap3A_64], %broadcast_in_dim3A_19 {strides = array<i32>} : memref<64x64xf32, #tpu.memory_space<vmem>>, vector<16xf32>,
        %swap3A_66 = arith.index_cast %add3A_46 : i32 to index
        %swap3A_67 = arith.index_cast %mul3A_63 : i32 to index
        %swap3A_68 = tpu.vector_load %arg21[%swap3A_66, %swap3A_67] {strides = array<i32>} : memref<64x64xf32, #tpu.memory_space<vmem>>, vector<16xf32>,
        tpu.vector_store %arg21[%swap3A_66, %swap3A_67], %broadcast_in_dim3A_19 {strides = array<i32>} : memref<64x64xf32, #tpu.memory_space<vmem>>, vector<16xf32>,
        %scan3A_69 = arith.constant 0 : i32
        scf.yield %scan3A_69 : i32
      }
      %scan3A_26 = arith.constant 56 : i32
      "tpu.region"() ({
        %run_scoped3A = tpu.sem_alloc : memref<!tpu.dma_semaphore, #tpu.memory_space<semaphore_mem>>
        tpu.enqueue_dma source(%arg20 : memref<64x64xf32, #tpu.memory_space<vmem>>) target(%arg10 : memref<64x64xf32, #tpu.memory_space<hbm>>) target_semaphore(%run_scoped3A : memref<!tpu.dma_semaphore, #tpu.memory_space<semaphore_mem>>)
        tpu.wait_dma2 semaphore(%run_scoped3A : memref<!tpu.dma_semaphore, #tpu.memory_space<semaphore_mem>>) src(%arg20 : memref<64x64xf32, #tpu.memory_space<vmem>>) dst(%arg10 : memref<64x64xf32, #tpu.memory_space<hbm>>)
        tpu.yield
      }) : () -> ()
      "tpu.region"() ({
        %run_scoped3A = tpu.sem_alloc : memref<!tpu.dma_semaphore, #tpu.memory_space<semaphore_mem>>
        tpu.enqueue_dma source(%arg21 : memref<64x64xf32, #tpu.memory_space<vmem>>) target(%arg11 : memref<64x64xf32, #tpu.memory_space<hbm>>) target_semaphore(%run_scoped3A : memref<!tpu.dma_semaphore, #tpu.memory_space<semaphore_mem>>)
        tpu.wait_dma2 semaphore(%run_scoped3A : memref<!tpu.dma_semaphore, #tpu.memory_space<semaphore_mem>>) src(%arg21 : memref<64x64xf32, #tpu.memory_space<vmem>>) dst(%arg11 : memref<64x64xf32, #tpu.memory_space<hbm>>)
        tpu.yield
      }) : () -> ()
    } else {
    }
    %scan3A = arith.constant 0 : i32
    %scan3A_5 = arith.constant 0 : i32
    %scan3A_6 = arith.constant 512 : i32
    %scan3A_7 = arith.addi %scan3A_5, %scan3A_6 : i32
    %scan3A_8 = arith.constant 1 : i32
    %scan3A_9 = scf.for %scan3A_11 = %scan3A_5 to %scan3A_7 step %scan3A_8 iter_args(%scan3A_12 = %scan3A) -> (i32)  : i32 {
      %mul3A_13 = arith.constant 16 : i32
      %mul3A_14 = arith.muli %scan3A_11, %mul3A_13 : i32
      %get3A = arith.index_cast %mul3A_14 : i32 to index
      %get3A_15 = tpu.vector_load %arg18[%get3A] {strides = array<i32>} : memref<8192xf32, #tpu.memory_space<vmem>>, vector<16xf32>,
      %mul3A_16 = arith.constant 1.000000e+01 : f32
      %mul3A_17 = vector.broadcast %mul3A_16 : f32 to vector<16xf32>
      %mul3A_18 = arith.mulf %get3A_15, %mul3A_17 : vector<16xf32>
      %convert_element_type3A_19 = arith.fptosi %mul3A_18 : vector<16xf32> to vector<16xi32>
      %max3A = arith.constant 0 : i32
      %max3A_20 = vector.broadcast %max3A : i32 to vector<16xi32>
      %max3A_21 = arith.maxsi %convert_element_type3A_19, %max3A_20 : vector<16xi32>
      %min3A = arith.constant 49 : i32
      %min3A_22 = vector.broadcast %min3A : i32 to vector<16xi32>
      %min3A_23 = arith.minsi %max3A_21, %min3A_22 : vector<16xi32>
      %gather3A = tpu.vector_load_idx %arg16[%min3A_23] : memref<64xf32, #tpu.memory_space<vmem>>[vector<16xi32>], vector<16xf32>,
      %add3A_24 = arith.constant 1 : i32
      %add3A_25 = vector.broadcast %add3A_24 : i32 to vector<16xi32>
      %add3A_26 = arith.addi %min3A_23, %add3A_25 : vector<16xi32>
      %gather3A_27 = tpu.vector_load_idx %arg16[%add3A_26] : memref<64xf32, #tpu.memory_space<vmem>>[vector<16xi32>], vector<16xf32>,
      %lt3A = arith.cmpf olt, %get3A_15, %gather3A : vector<16xf32>
      %convert_element_type3A_28 = arith.extui %lt3A : vector<16xi1> to vector<16xi32>
      %sub3A = arith.subi %min3A_23, %convert_element_type3A_28 : vector<16xi32>
      %ge3A = arith.cmpf oge, %get3A_15, %gather3A_27 : vector<16xf32>
      %convert_element_type3A_29 = arith.extui %ge3A : vector<16xi1> to vector<16xi32>
      %add3A_30 = arith.addi %sub3A, %convert_element_type3A_29 : vector<16xi32>
      %max3A_31 = arith.constant 0 : i32
      %max3A_32 = vector.broadcast %max3A_31 : i32 to vector<16xi32>
      %max3A_33 = arith.maxsi %add3A_30, %max3A_32 : vector<16xi32>
      %min3A_34 = arith.constant 49 : i32
      %min3A_35 = vector.broadcast %min3A_34 : i32 to vector<16xi32>
      %min3A_36 = arith.minsi %max3A_33, %min3A_35 : vector<16xi32>
      %swap3A = arith.index_cast %mul3A_14 : i32 to index
      %swap3A_37 = tpu.vector_load %arg19[%swap3A] {strides = array<i32>} : memref<8192xi32, #tpu.memory_space<vmem>>, vector<16xi32>,
      tpu.vector_store %arg19[%swap3A], %min3A_36 {strides = array<i32>} : memref<8192xi32, #tpu.memory_space<vmem>>, vector<16xi32>,
      %scan3A_38 = arith.constant 0 : i32
      scf.yield %scan3A_38 : i32
    }
    %scan3A_10 = arith.constant 512 : i32
    "tpu.region"() ({
      %run_scoped3A = tpu.sem_alloc : memref<!tpu.dma_semaphore, #tpu.memory_space<semaphore_mem>>
      %dma_start3A = tpu.memref_slice %arg9[%mul3A_2] : memref<262144xi32, #tpu.memory_space<hbm>> -> memref<8192xi32, #tpu.memory_space<hbm>>
      %dma_start3A_11 = tpu.memref_slice %arg9[%mul3A_2] : memref<262144xi32, #tpu.memory_space<hbm>> -> memref<8192xi32, #tpu.memory_space<hbm>>
      tpu.enqueue_dma source(%arg19 : memref<8192xi32, #tpu.memory_space<vmem>>) target(%dma_start3A_11 : memref<8192xi32, #tpu.memory_space<hbm>>) target_semaphore(%run_scoped3A : memref<!tpu.dma_semaphore, #tpu.memory_space<semaphore_mem>>)
      %dma_wait3A = tpu.memref_slice %arg9[%mul3A_2] : memref<262144xi32, #tpu.memory_space<hbm>> -> memref<8192xi32, #tpu.memory_space<hbm>>
      %dma_wait3A_12 = tpu.memref_slice %arg9[%mul3A_2] : memref<262144xi32, #tpu.memory_space<hbm>> -> memref<8192xi32, #tpu.memory_space<hbm>>
      tpu.wait_dma2 semaphore(%run_scoped3A : memref<!tpu.dma_semaphore, #tpu.memory_space<semaphore_mem>>) src(%arg19 : memref<8192xi32, #tpu.memory_space<vmem>>) dst(%dma_wait3A_12 : memref<8192xi32, #tpu.memory_space<hbm>>)
      tpu.yield
    }) : () -> ()
    return
  }
}

module attributes {stable_mosaic.version = 14 : i64} {
  func.func @_tc_body(%arg0: i32, %arg1: memref<16384x64xf32, #tpu.memory_space<vmem>>, %arg2: memref<16384xi32, #tpu.memory_space<vmem>>, %arg3: memref<64x64xf32, #tpu.memory_space<vmem>>, %arg4: memref<64x64xf32, #tpu.memory_space<vmem>>, %arg5: memref<16384x64xf32, #tpu.memory_space<vmem>>) attributes {dimension_semantics = [#tpu.dimension_semantics<arbitrary>], iteration_bounds = array<i64: 16>, scalar_prefetch = 0 : i64, scratch_operands = 0 : i64, tpu.core_type = #tpu.core_type<tc>, window_params = [{transform_indices = @transform_0, window_bounds = array<i64: 16384, 64>}, {transform_indices = @transform_1, window_bounds = array<i64: 16384>}, {pipeline_mode = #tpu.pipeline_mode<synchronous>, transform_indices = @transform_2, window_bounds = array<i64: 64, 64>}, {pipeline_mode = #tpu.pipeline_mode<synchronous>, transform_indices = @transform_3, window_bounds = array<i64: 64, 64>}, {transform_indices = @transform_4, window_bounds = array<i64: 16384, 64>}]} {
    %get3A = arith.constant 0 : index
    %get3A_0 = vector.load %arg2[%get3A] : memref<16384xi32, #tpu.memory_space<vmem>>, vector<16384xi32>
    %iota3A = tpu.iota {dimensions = array<i32: 1>} : vector<16384x64xi32>
    %broadcast_in_dim3A = vector.shape_cast %get3A_0 : vector<16384xi32> to vector<16384x1xi32>
    %eq3A = vector.broadcast %broadcast_in_dim3A : vector<16384x1xi32> to vector<16384x64xi32>
    %eq3A_1 = arith.cmpi eq, %eq3A, %iota3A : vector<16384x64xi32>
    %convert_element_type3A = arith.extui %eq3A_1 : vector<16384x64xi1> to vector<16384x64xi32>
    %convert_element_type3A_2 = arith.sitofp %convert_element_type3A : vector<16384x64xi32> to vector<16384x64xf32>
    %get3A_3 = arith.constant 0 : index
    %get3A_4 = arith.constant 0 : index
    %get3A_5 = vector.load %arg3[%get3A_3, %get3A_4] : memref<64x64xf32, #tpu.memory_space<vmem>>, vector<64x64xf32>
    %dot_general3A = arith.constant dense<0.000000e+00> : vector<16384x64xf32>
    %dot_general3A_6 = tpu.matmul %convert_element_type3A_2, %get3A_5, %dot_general3A {dimension_numbers = #tpu.dot_dimension_numbers<[1], [0], [0], [1], [0, 0, 1, 1], [], []>, transpose_lhs_hint = false} : vector<16384x64xf32>, vector<64x64xf32>, vector<16384x64xf32> -> vector<16384x64xf32>
    %get3A_7 = arith.constant 0 : index
    %get3A_8 = arith.constant 0 : index
    %get3A_9 = vector.load %arg4[%get3A_7, %get3A_8] : memref<64x64xf32, #tpu.memory_space<vmem>>, vector<64x64xf32>
    %dot_general3A_10 = arith.constant dense<0.000000e+00> : vector<16384x64xf32>
    %dot_general3A_11 = tpu.matmul %convert_element_type3A_2, %get3A_9, %dot_general3A_10 {dimension_numbers = #tpu.dot_dimension_numbers<[1], [0], [0], [1], [0, 0, 1, 1], [], []>, transpose_lhs_hint = false} : vector<16384x64xf32>, vector<64x64xf32>, vector<16384x64xf32> -> vector<16384x64xf32>
    %get3A_12 = arith.constant 0 : index
    %get3A_13 = arith.constant 0 : index
    %get3A_14 = vector.load %arg1[%get3A_12, %get3A_13] : memref<16384x64xf32, #tpu.memory_space<vmem>>, vector<16384x64xf32>
    %mul3A = arith.mulf %get3A_14, %dot_general3A_6 : vector<16384x64xf32>
    %add3A = arith.addf %mul3A, %dot_general3A_11 : vector<16384x64xf32>
    %swap3A = arith.constant 0 : index
    %swap3A_15 = arith.constant 0 : index
    %swap3A_16 = vector.load %arg5[%swap3A, %swap3A_15] : memref<16384x64xf32, #tpu.memory_space<vmem>>, vector<16384x64xf32>
    tpu.vector_store %arg5[%swap3A, %swap3A_15], %add3A {strides = array<i32>} : memref<16384x64xf32, #tpu.memory_space<vmem>>, vector<16384x64xf32>,
    return
  }
  func.func @transform_0(%arg0: i32) -> (i32, i32) {
    %c0_i32 = arith.constant 0 : i32
    %c0_i32_0 = arith.constant 0 : i32
    return %arg0, %c0_i32 : i32, i32
  }
  func.func @transform_1(%arg0: i32) -> i32 {
    %c0_i32 = arith.constant 0 : i32
    return %arg0 : i32
  }
  func.func @transform_2(%arg0: i32) -> (i32, i32) {
    %c0_i32 = arith.constant 0 : i32
    %c0_i32_0 = arith.constant 0 : i32
    %c0_i32_1 = arith.constant 0 : i32
    return %c0_i32, %c0_i32_0 : i32, i32
  }
  func.func @transform_3(%arg0: i32) -> (i32, i32) {
    %c0_i32 = arith.constant 0 : i32
    %c0_i32_0 = arith.constant 0 : i32
    %c0_i32_1 = arith.constant 0 : i32
    return %c0_i32, %c0_i32_0 : i32, i32
  }
  func.func @transform_4(%arg0: i32) -> (i32, i32) {
    %c0_i32 = arith.constant 0 : i32
    %c0_i32_0 = arith.constant 0 : i32
    return %arg0, %c0_i32 : i32, i32
  }
}

</mosaic_0001>

<sc_bundles>
// kernel: _fds_smooth.4.cloned.1.call-start
scs
__scs_entry_jumppad:
0x0: {  	(pc) =	sbr.rel $0x88, $3  }
0x1: {  	(tag) =	ssettag $0x0;
	lr =	simm.s32 $0x1  }
0x2: {  	[smem:$0x3F9A] =	sst lr;
	_ =	strace $0xD0000000  }
0x3: {  	_ = 	snop  }
0x4: {  	_ = 	snop  }
0x5: {  	_ = 	snop  }
0x6: {  	_ = 	snop  }
0x7: {  	_ = 	snop  }
__scs_overlays_trampoline_lowered:
0x8: {  	[smem:$0x3FA9] =	sst s0  }
0x9: {  	[smem:$0x3FAA] =	sst s1  }
0xa: {  	[smem:$0x3FAB] =	sst s2  }
0xb: {  	[smem:$0x3FAC] =	sst s3  }
0xc: {  	[smem:$0x3FAD] =	sst s4  }
0xd: {  	[smem:$0x3FAE] =	sst s5  }
0xe: {  	[smem:$0x3FAF] =	sst s6  }
0xf: {  	[smem:$0x3FB0] =	sst s7  }
0x10: {  	[smem:$0x3FB1] =	sst s8  }
0x11: {  	[smem:$0x3FB2] =	sst s9;
	s0 =	simm.s32 @!p0 $0x0  }
0x12: {  	s1 =	sld [smem:$0x3F98];
	s0 =	simm.s32 @p0 $0x1  }
0x13: {  	[smem:$0x3FB3] =	sst s0;
	s0 =	simm.s32 @!p1 $0x0  }
0x14: {  	s2 =	sld [smem:$0x3F97];
	s0 =	simm.s32 @p1 $0x1  }
0x15: {  	[smem:$0x3FB4] =	sst s0;
	s0 =	simm.s32 @!p2 $0x0  }
0x16: {  	s3 =	sld [smem:$0x3FDB];
	s0 =	simm.s32 @p2 $0x1  }
0x17: {  	s4 =	simm.s32 $0x1BF5;
	[smem:$0x3FB6] =	sst s0  }
0x18: {  	s0 =	sld [smem:$0x3F99];
	_ =	swait.ge [sflag:s4], $0x0  }
0x19: {  	s7 =	sld [smem:$0x3F9A]  }
0x1a: {  	s8 =	sadd.s32 $0xFFFFE003, lr  }
0x1b: {  	s9 =	sadd.s32 $0xFFFFFEF7, lr;
	s5 =	simm.s32 $0xFFFFFFFF;
	p2 =	slt.u32 s8, $0xFFFFF086  }
0x1c: {  	p1 =	slt.u32 s9, $0xF7A;
	s5 =	simm.s32 @!p2 $0x0  }
0x1d: {  	s5 =	simm.s32 @p1 $0x1;
	p0 =	seq.s32 s7, s2  }
0x1e: {  	s7 =	smul.u32 @!p0 $0xF7A, s2;
	p2 =	seq.s32 @!p0 s5, $0x0  }
0x1f: {  	s9 =	smul.u32 $0xF7A, s1;
	s8 =	simm.s32 @!p0 $0x1BF5;
	p2 =	por !p2, p0  }
0x20: {  	[sflag:s8] =	ssyncset.s32 @!p0 $0xFFFFF086;
	s6 =	sadd.s32 @!p0 s3, s7;
	s7 =	simm.s32 @!p0 $0x108  }
0x21: {  	s3 =	sadd.s32 s3, s9;
	s6 =	sadd.s32 @!p0 $0x88, s6;
	s7 =	simm.s32 @p2 $0x1082  }
0x22: {  	[simem:s7], [sflag:s8] =	dma.local @!p0 [hbm:s6], $0xF7A  }
0x23: {  	s9 =	sor.u32 $0xD0000000, s2;
	s6 =	simm.s32 $0x108;
	_ =	swait.ge @!p0 [sflag:s8], $0x0  }
0x24: {  	s3 =	sadd.s32 $0x88, s3;
	s6 =	simm.s32 @!p1 $0x1082;
	[sflag:s4] =	ssyncset.s32 $0xFFFFF086  }
0x25: {  	[simem:s6], [sflag:s4] =	dma.local [hbm:s3], $0xF7A  }
0x26: {  	[smem:$0x3F9A] =	sst s1;
	(tag) =	ssettag s2;
	_ =	strace s9  }
0x27: {  	s1 =	sld [smem:$0x3FAA]  }
0x28: {  	s2 =	sld [smem:$0x3FAB]  }
0x29: {  	s4 =	sld [smem:$0x3FAD]  }
0x2a: {  	p0 =	seq.s32 s5, $0x0;
	s5 =	sld [smem:$0x3FAE]  }
0x2b: {  	s6 =	sld [smem:$0x3FAF]  }
0x2c: {  	s7 =	sld [smem:$0x3FB0]  }
0x2d: {  	s3 =	simm.s32 $0x108;
	s8 =	sld [smem:$0x3FB1]  }
0x2e: {  	s3 =	simm.s32 @!p0 $0x1082;
	s9 =	sld [smem:$0x3FB2]  }
0x2f: {  	lr =	sadd.s32 s0, s3;
	s0 =	sld [smem:$0x3FA9]  }
0x30: {  	s3 =	sld [smem:$0x3FAC]  }
0x31: {  	[smem:$0x3FB5] =	sst s10  }
0x32: {  	s10 =	sld [smem:$0x3FB3];
	_ =	sdelay $0x3  }
0x33: {  	p0 =	seq.s32 s10, $0x1;
	s10 =	sld [smem:$0x3FB5];
	_ =	sdelay $0x3  }
0x34: {  	[smem:$0x3FB5] =	sst s10  }
0x35: {  	s10 =	sld [smem:$0x3FB4];
	_ =	sdelay $0x3  }
0x36: {  	p1 =	seq.s32 s10, $0x1;
	s10 =	sld [smem:$0x3FB5];
	_ =	sdelay $0x3  }
0x37: {  	[smem:$0x3FB5] =	sst s10  }
0x38: {  	s10 =	sld [smem:$0x3FB6]  }
0x39: {  	_ = 	snop;
	(pc) =	sbr.ind lr, $3  }
0x3a: {  	_ = 	snop  }
0x3b: {  	_ = 	snop  }
0x3c: {  	p2 =	seq.s32 s10, $0x1;
	s10 =	sld [smem:$0x3FB5]  }
0x3d: {  	_ =	shalt  }
0x3e: {  	_ =	shalt  }
0x3f: {  	_ =	shalt  }
0x40: {  	_ =	shalt  }
0x41: {  	_ =	shalt  }
0x42: {  	_ =	shalt  }
0x43: {  	_ =	shalt  }
0x44: {  	_ =	shalt  }
0x45: {  	_ =	shalt  }
0x46: {  	_ =	shalt  }
0x47: {  	_ =	shalt  }
0x48: {  	_ =	shalt  }
0x49: {  	_ =	shalt  }
0x4a: {  	_ =	shalt  }
0x4b: {  	_ =	shalt  }
0x4c: {  	_ =	shalt  }
0x4d: {  	_ =	shalt  }
0x4e: {  	_ =	shalt  }
0x4f: {  	_ =	shalt  }
0x50: {  	_ =	shalt  }
0x51: {  	_ =	shalt  }
0x52: {  	_ =	shalt  }
0x53: {  	_ =	shalt  }
0x54: {  	_ =	shalt  }
0x55: {  	_ =	shalt  }
0x56: {  	_ =	shalt  }
0x57: {  	_ =	shalt  }
0x58: {  	_ =	shalt  }
0x59: {  	_ =	shalt  }
0x5a: {  	_ =	shalt  }
0x5b: {  	_ =	shalt  }
0x5c: {  	_ =	shalt  }
0x5d: {  	_ =	shalt  }
0x5e: {  	_ =	shalt  }
0x5f: {  	_ =	shalt  }
0x60: {  	_ =	shalt  }
0x61: {  	_ =	shalt  }
0x62: {  	_ =	shalt  }
0x63: {  	_ =	shalt  }
0x64: {  	_ =	shalt  }
0x65: {  	_ =	shalt  }
0x66: {  	_ =	shalt  }
0x67: {  	_ =	shalt  }
0x68: {  	_ =	shalt  }
0x69: {  	_ =	shalt  }
0x6a: {  	_ =	shalt  }
0x6b: {  	_ =	shalt  }
0x6c: {  	_ =	shalt  }
0x6d: {  	_ =	shalt  }
0x6e: {  	_ =	shalt  }
0x6f: {  	_ =	shalt  }
0x70: {  	_ =	shalt  }
0x71: {  	_ =	shalt  }
0x72: {  	_ =	shalt  }
0x73: {  	_ =	shalt  }
0x74: {  	_ =	shalt  }
0x75: {  	_ =	shalt  }
0x76: {  	_ =	shalt  }
0x77: {  	_ =	shalt  }
0x78: {  	_ =	shalt  }
0x79: {  	_ =	shalt  }
0x7a: {  	_ =	shalt  }
0x7b: {  	_ =	shalt  }
0x7c: {  	_ =	shalt  }
0x7d: {  	_ =	shalt  }
0x7e: {  	_ =	shalt  }
0x7f: {  	_ =	shalt  }
0x80: {  	_ =	shalt  }
0x81: {  	_ =	shalt  }
0x82: {  	_ =	shalt  }
0x83: {  	_ =	shalt  }
0x84: {  	_ =	shalt  }
0x85: {  	_ =	shalt  }
0x86: {  	_ =	shalt  }
0x87: {  	_ =	shalt  }
.Lfunc_end0:
.L_simem_size_0:
called_computation_lowered:
.L_overlay_start_0:
0x88: {  	s2 =	sld [smem:$0x3FD9]  }
0x89: {  	s3 =	sld [smem:$0x3FFE];
	_ =	sdelay $0x1  }
0x8a: {  	s1 =	srdreg.scid  }
0x8b: {  	s0 =	sand.u32 $0x1, s1  }
0x8c: {  	s17 =	sshll.u32 s0, $0xA;
	s2 =	sadd.s32 s3, s2  }
0x8d: {  	s2 =	sadd.s32 s2, s17  }
0x8e: {  	[smem:$0x3FC1] =	sst s2  }
0x8f: {  	_ = 	snop  }
0x90: {  	s2 =	sld [smem:$0x3FC8]  }
0x91: {  	s18 =	sld [smem:$0x3FD0];
	(tm) =	ssettm $0x1  }
0x92: {  	s4 =	sld [smem:$0x3FFB];
	_ =	sdelay $0x3  }
0x93: {  	_ =	strace s4  }
0x94: {  	s4 =	sld [smem:$0x3FFC];
	_ =	sdelay $0x3  }
0x95: {  	_ =	strace s4  }
0x96: {  	s4 =	sld [smem:$0x3FFD];
	_ =	sdelay $0x3  }
0x97: {  	_ =	strace s4  }
0x98: {  	_ =	strace $0x8FFFFFFF  }
0x99: {  	s19 =	sld [smem:$0x3FDB];
	_ =	sdelay $0x1  }
0x9a: {  	s5 =	simm.s32 $_scs_section_size  }
0x9b: {  	s6 =	simm.s32 $_size__tile_overlayer_lowered;
	s7 =	simm.s32 $_tile_overlayer_lowered  }
0x9c: {  	s22 =	simm.s32 $0x1BFF;
	s21 =	sshll.u32 s7, $0x1;
	s4 =	sadd.s32 s5, s19  }
0x9d: {  	s8 =	simm.s32 $0x0;
	s20 =	sshll.u32 s6, $0x1;
	s6 =	sadd.s32 s21, s4  }
0x9e: {  	[timem:s8], [sflag:s22] =	dma.local [hbm:s6], s20  }
0x9f: {  	_ =	swait.ge [sflag:s22], s20  }
0xa0: {  	s5 =	ssub.s32 $0x0, s20;
	[sflag:s22] =	ssyncset.done $0x0  }
0xa1: {  	[sflag:s22] =	ssyncadd.s32 s5;
	_ =	sdelay $0x1  }
0xa2: {  	s23 =	simm.s32 $0x1B8B  }
0xa3: {  	_ =	swait.ge [sflag:s23], $0x1  }
0xa4: {  	[sflag:s23] =	ssyncset.done $0x0  }
0xa5: {  	s25 =	simm.s32 $0x1B8E;
	s24 =	sld [smem:$0x3FFE];
	[sflag:s23] =	ssyncadd.s32 $0xFFFFFFFF  }
0xa6: {  	s26 =	simm.s32 $execute0_lowered;
	[smem:$0x3FD2] =	sst s25  }
0xa7: {  	s6 =	sshll.u32 s26, $0x1;
	_ =	strace $0x80000046;
	[dreg:$0x1] =	wrdreg $0xFFFFFFFF  }
0xa8: {  	s28 =	simm.s32 $_size_execute0_lowered;
	s4 =	sadd.s32 s4, s6;
	[dreg:$0x0] =	wrdreg $0x0  }
0xa9: {  	s6 =	sshll.u32 s28, $0x1;
	[dreg:$0x2] =	wrdreg s4  }
0xaa: {  	[dreg:$0x3] =	wrdreg s6  }
0xab: {  	[dreg:$0x4] =	wrdreg $0xC0  }
0xac: {  	_ =	task [dreg:s8], $0x5FFFF  }
0xad: {  	[dreg:$0x1] =	wrdreg $0xFFFFFFFF  }
0xae: {  	[dreg:$0x0] =	wrdreg $0x60  }
0xaf: {  	[dreg:$0x2] =	wrdreg s2  }
0xb0: {  	[dreg:$0x3] =	wrdreg s24  }
0xb1: {  	[dreg:$0x4] =	wrdreg s18  }
0xb2: {  	[dreg:$0x5] =	wrdreg $0x9  }
0xb3: {  	_ =	task.clear_ibuf [dreg:s8], $0x6FFFF;
	_ =	strace $0x90000046  }
0xb4: {  	s29 =	simm.s32 $0x9;
	_ =	strace $0x80000048  }
0xb5: {  	_ =	swait.ge [sflag:s29], $0x1  }
0xb6: {  	[sflag:s29] =	ssyncadd.s32 $0xFFFFFFFF  }
0xb7: {  	_ =	strace $0x90000048  }
0xb8: {  	_ =	sfence  }
0xb9: {  	s30 =	sld [smem:$0x0];
	_ =	sdelay $0x2  }
0xba: {  	s31 =	sshll.u32 s1, $0xD;
	s1 =	sshrl.u32 s1, $0x2  }
0xbb: {  	s3 =	sand.u32 $0x4000, s31;
	s1 =	sadd.s32 s1, s30  }
0xbc: {  	s0 =	sor.u32 s3, s0;
	s1 =	sshll.u32 s1, $0x11  }
0xbd: {  	s0 =	sor.u32 s1, s0  }
0xbe: {  	s0 =	sadd.s32 $0x8F2B, s0  }
0xbf: {  	[sflag:s0] =	ssyncadd.remote.s32 $0x1  }
0xc0: {  	_ =	sfence.sel $0xFFFF  }
0xc1: {  	[dreg:$0x0] =	wrdreg $0xFFFFFFFF;
	(pc) =	sbr.abs _section_cstart, $3  }
0xc2: {  	[dreg:$0x1] =	wrdreg $0xFFFFFFFF  }
0xc3: {  	_ =	task.clear_ibuf [dreg:s8], $0x2FFFF;
	_ =	strace $0x9FFFFFFF  }
0xc4: {  	(tm) =	ssettm $0x7FFFFFFF  }
0xc5: {  	_ =	shalt  }
tec
execute0_lowered:
.L_overlay_start_1:
0x0: {  	(tag) =	ssettag $0x1  }
0x1: {  	s0 =	rddreg [dreg:$0x0]  }
0x2: {  	s10 =	rddreg [dreg:$0x1]  }
0x3: {  	s12 =	rddreg [dreg:$0x2];
	s1 =	simm.s32 $0x0;
	s8 =	srdreg.scid  }
0x4: {  	s4 =	stileid.u32;
	s16 =	simm.s32 $0x3300;
	s17 =	simm.s32 $0x3280  }
0x5: {  	s18 =	simm.s32 $0x7300;
	s19 =	simm.s32 $0x9300;
	s20 =	simm.s32 $0x5300  }
0x6: {  	s21 =	simm.s32 $0x0;
	[smem:$0x7FF] =	sst s1;
	s2 =	sadd.s32 $0x1000, s10  }
0x7: {  	s3 =	sadd.s32 $0x1200, s10;
	s5 =	sadd.s32 $0x800, s10;
	s6 =	sadd.s32 $0xA00, s10  }
0x8: {  	s7 =	sadd.s32 $0xC00, s10;
	s11 =	sand.u32 $0x1, s8;
	s8 =	sadd.s32 $0xE00, s10  }
0x9: {  	s14 =	sshll.u32 s4, $0x1;
	s9 =	sadd.s32 $0x1400, s10;
	s10 =	sadd.s32 $0x1800, s10  }
0xa: {  	_ =	strace $0x80000047;
	s13 =	ssub.s32 $0x2, s11;
	s14 =	sor.u32 s11, s14  }
0xb: {  	s15 =	sshrl.u32 s13, $0x1;
	s31 =	sshll.u32 s14, $0xA;
	p0 =	sne.s32 s14, $0x0  }
0xc: {  	s14 =	simm.s32 $0x3200;
	s13 =	ssub.s32 s13, s15;
	s11 =	sadd.s32 s0, s31  }
0xd: {  	v0 =	vimm.f32 $0.0e+00;
	v1 =	vimm.s32 $0x0;
	s12 =	sadd.s32 s12, s31;
	s15 =	simm.s32 $0x1;
	s13 =	smax.u32 s13, $0x1  }
.LBB2_1:
0xe: {  	[tilespmem:s14], [sflag:$0x1] =	stream.linear.gather [hbm4b:s2+s1], $0x80, $0x38;
	[tilespmem:$0xB300] =	vst v63  }
0xf: {  	_ =	swait.ge [sflag:s15], $0x80  }
0x10: {  	[sflag:s15] =	ssyncset.done $0x0  }
.Ltmp0:
0x11: {  	[sflag:s15] =	ssyncadd.s32 $0xFFFFFF80;
	(pc) =	sbr.rel @p0 .LBB2_7-.Ltmp0, $4  }
0x12: {  	[tilespmem:s16], [sflag:$0x1] =	stream.linear.gather [hbm4b:s11+s1], $0x2000, $0x38;
	[tilespmem:$0xB300] =	vst v63  }
0x13: {  	_ =	swait.ge [sflag:s15], $0x2000  }
0x14: {  	[sflag:s15] =	ssyncset.done $0x0  }
0x15: {  	[sflag:s15] =	ssyncadd.s32 $0xFFFFE000  }
0x16: {  	s22 =	simm.s32 $0x0  }
0x17: {  	[tilespmem:s17], [sflag:$0x1] =	stream.linear.gather [hbm4b:s3+s22], $0x80, $0x38;
	[tilespmem:$0xB300] =	vst v63  }
0x18: {  	_ =	swait.ge [sflag:s15], $0x80  }
0x19: {  	[sflag:s15] =	ssyncset.done $0x0  }
0x1a: {  	[sflag:s15] =	ssyncadd.s32 $0xFFFFFF80  }
0x1b: {  	[tilespmem:s22], [sflag:$0x1] =	stream.linear.gather [hbm4b:s5+s22], $0xC80, $0x38;
	[tilespmem:$0xB300] =	vst v63  }
0x1c: {  	_ =	swait.ge [sflag:s15], $0xC80  }
0x1d: {  	[sflag:s15] =	ssyncset.done $0x0  }
0x1e: {  	s0 =	simm.s32 $0xC80;
	[sflag:s15] =	ssyncadd.s32 $0xFFFFF380  }
0x1f: {  	[tilespmem:s0], [sflag:$0x1] =	stream.linear.gather [hbm4b:s6+s22], $0xC80, $0x38;
	[tilespmem:$0xB300] =	vst v63  }
0x20: {  	_ =	swait.ge [sflag:s15], $0xC80  }
0x21: {  	[sflag:s15] =	ssyncset.done $0x0  }
0x22: {  	s23 =	simm.s32 $0x1900;
	[sflag:s15] =	ssyncadd.s32 $0xFFFFF380  }
0x23: {  	[tilespmem:s23], [sflag:$0x1] =	stream.linear.gather [hbm4b:s7+s22], $0xC80, $0x38;
	[tilespmem:$0xB300] =	vst v63  }
0x24: {  	_ =	swait.ge [sflag:s15], $0xC80  }
0x25: {  	[sflag:s15] =	ssyncset.done $0x0  }
0x26: {  	s25 =	simm.s32 $0x2580;
	[sflag:s15] =	ssyncadd.s32 $0xFFFFF380  }
0x27: {  	[tilespmem:s25], [sflag:$0x1] =	stream.linear.gather [hbm4b:s8+s22], $0xC80, $0x38;
	[tilespmem:$0xB300] =	vst v63  }
0x28: {  	_ =	swait.ge [sflag:s15], $0xC80  }
0x29: {  	[sflag:s15] =	ssyncset.done $0x0  }
0x2a: {  	[sflag:s15] =	ssyncadd.s32 $0xFFFFF380  }
0x2b: {  	v2 =	vld [tilespmem:s0+$0x0];
	_ =	sdelay $0x4  }
0x2c: {  	(erf) = vrcp.f32 v2;
	_ =	sdelay $0x4  }
0x2d: {  	v2 =	vld [tilespmem:s25+$0x0];
	_ =	sdelay $0x3  }
0x2e: {  	v3 =	vpop (erf)  }
0x2f: {  	v2 =	vmul.f32 v3, v2;
	_ =	sdelay $0x1  }
0x30: {  	v2 =	vmax.f32 v2, $1.000000010e-01  }
0x31: {  	v3 =	vmin.f32 v2, $1.000000000e+01  }
0x32: {  	v2 =	vshra.s32 v3, $0x1;
	v4 =	vmul.f32 $5.000000000e-01, v3  }
0x33: {  	v2 =	vsub.s32 $0x5F3759DF, v2  }
0x34: {  	v5 =	vmul.f32 v2, v4;
	_ =	sdelay $0x1  }
0x35: {  	v5 =	vmul.f32 v2, v5;
	_ =	sdelay $0x1  }
0x36: {  	v5 =	vsub.f32 $1.500000000e+00, v5;
	_ =	sdelay $0x1  }
0x37: {  	v2 =	vmul.f32 v2, v5;
	_ =	sdelay $0x1  }
0x38: {  	v5 =	vmul.f32 v2, v4;
	_ =	sdelay $0x1  }
0x39: {  	v5 =	vmul.f32 v5, v2;
	_ =	sdelay $0x1  }
0x3a: {  	v5 =	vsub.f32 $1.500000000e+00, v5;
	_ =	sdelay $0x1  }
0x3b: {  	v2 =	vmul.f32 v5, v2;
	_ =	sdelay $0x1  }
0x3c: {  	v4 =	vmul.f32 v2, v4;
	_ =	sdelay $0x1  }
0x3d: {  	v4 =	vmul.f32 v4, v2;
	_ =	sdelay $0x1  }
0x3e: {  	v4 =	vsub.f32 $1.500000000e+00, v4  }
0x3f: {  	v5 =	vld [tilespmem:s22+$0x0]  }
0x40: {  	v4 =	vmul.f32 v4, v2  }
0x41: {  	v6 =	vld [tilespmem:s23+$0x0]  }
0x42: {  	v2 =	vld [tilespmem:$0x3280];
	v3 =	vmul.f32 v4, v3;
	_ =	sdelay $0x1  }
0x43: {  	v4 =	vmul.f32 v3, v5  }
0x44: {  	v3 =	vadd.f32 $-1.000000000e+00, v3  }
0x45: {  	v4 =	vsub.f32 v6, v4  }
0x46: {  	v3 =	vmul.f32 v3, v2  }
0x47: {  	s24 =	sand.u32 $0x30, s22;
	s26 =	sand.u32 $0x1F80, s22;
	v4 =	vmul.f32 v4, v2  }
0x48: {  	s0 =	sor.u32 s24, s26;
	v3 =	vadd.f32 $1.000000000e+00, v3  }
0x49: {  	s31 =	simm.s32 $0xC90;
	[tilespmem:s0+$0x9300] =	vst v4  }
0x4a: {  	s29 =	simm.s32 $0x1910;
	s30 =	simm.s32 $0x0;
	s28 =	simm.s32 $0x20;
	[tilespmem:s0+$0x7300] =	vst v3  }
0x4b: {  	s23 =	simm.s32 $0x20;
	s26 =	simm.s32 $0x0;
	s0 =	simm.s32 $0x40;
	v3 =	vld [tilespmem:s31+$0x0]  }
.LBB2_3:
0x4c: {  	p1 =	sne.s32 s0, $0x18E0;
	v4 =	vld [tilespmem:s29+$0x0];
	s25 =	sadd.s32 $0x10, s25  }
0x4d: {  	v5 =	vld [tilespmem:s25+$0x0];
	_ =	sdelay $0x2  }
0x4e: {  	(erf) = vrcp.f32 v3;
	_ =	sdelay $0x8  }
0x4f: {  	v3 =	vpop (erf)  }
0x50: {  	v3 =	vmul.f32 v3, v5;
	_ =	sdelay $0x1  }
0x51: {  	v3 =	vmax.f32 v3, $1.000000010e-01  }
0x52: {  	v3 =	vmin.f32 v3, $1.000000000e+01  }
0x53: {  	v5 =	vshra.s32 v3, $0x1;
	v6 =	vmul.f32 $5.000000000e-01, v3  }
0x54: {  	v5 =	vsub.s32 $0x5F3759DF, v5  }
0x55: {  	v7 =	vmul.f32 v5, v6;
	_ =	sdelay $0x1  }
0x56: {  	v7 =	vmul.f32 v5, v7;
	_ =	sdelay $0x1  }
0x57: {  	v7 =	vsub.f32 $1.500000000e+00, v7;
	_ =	sdelay $0x1  }
0x58: {  	v5 =	vmul.f32 v5, v7;
	_ =	sdelay $0x1  }
0x59: {  	v7 =	vmul.f32 v5, v6;
	_ =	sdelay $0x1  }
0x5a: {  	v7 =	vmul.f32 v7, v5;
	_ =	sdelay $0x1  }
0x5b: {  	v7 =	vsub.f32 $1.500000000e+00, v7;
	_ =	sdelay $0x1  }
0x5c: {  	v5 =	vmul.f32 v7, v5;
	_ =	sdelay $0x1  }
0x5d: {  	v6 =	vmul.f32 v5, v6;
	_ =	sdelay $0x1  }
0x5e: {  	v6 =	vmul.f32 v6, v5;
	_ =	sdelay $0x1  }
0x5f: {  	s30 =	sadd.s32 $0x10, s30;
	v6 =	vsub.f32 $1.500000000e+00, v6  }
0x60: {  	v7 =	vld [tilespmem:s30+$0x0]  }
0x61: {  	v5 =	vmul.f32 v6, v5;
	_ =	sdelay $0x1  }
0x62: {  	v3 =	vmul.f32 v5, v3;
	_ =	sdelay $0x1  }
0x63: {  	v5 =	vadd.f32 $-1.000000000e+00, v3;
	v3 =	vmul.f32 v3, v7;
	_ =	sdelay $0x1  }
0x64: {  	v5 =	vmul.f32 v5, v2;
	v3 =	vsub.f32 v4, v3  }
0x65: {  	s26 =	sadd.s32 $0x10, s26  }
.Ltmp1:
0x66: {  	s28 =	sand.u32 $0x1F80, s28;
	s4 =	sand.u32 $0x30, s26;
	v4 =	vadd.f32 $1.000000000e+00, v5;
	v3 =	vmul.f32 v3, v2;
	(pc) =	sbr.rel @p1 .LBB2_3-.Ltmp1, $4  }
0x67: {  	s4 =	sor.u32 s4, s28;
	s28 =	smov.u32 s0  }
0x68: {  	[tilespmem:s4+$0x9300] =	vst v3  }
0x69: {  	s31 =	sadd.s32 $0x10, s31;
	[tilespmem:s4+$0x7300] =	vst v4  }
0x6a: {  	s29 =	sadd.s32 $0x10, s29;
	s0 =	sadd.s32 $0x20, s0;
	v3 =	vld [tilespmem:s31+$0x0]  }
0x6b: {  	_ =	sdelay $0x3  }
0x6c: {  	(erf) = vrcp.f32 v3;
	_ =	sdelay $0x3  }
0x6d: {  	s0 =	sadd.s32 $0x10, s25  }
0x6e: {  	v3 =	vld [tilespmem:s0+$0x0];
	_ =	sdelay $0x3  }
0x6f: {  	v4 =	vpop (erf)  }
0x70: {  	v3 =	vmul.f32 v4, v3;
	_ =	sdelay $0x1  }
0x71: {  	v3 =	vmax.f32 v3, $1.000000010e-01  }
0x72: {  	v3 =	vmin.f32 v3, $1.000000000e+01  }
0x73: {  	v61 =	vshra.s32 v3, $0x1;
	v5 =	vmul.f32 $5.000000000e-01, v3  }
0x74: {  	v4 =	vsub.s32 $0x5F3759DF, v61  }
0x75: {  	v6 =	vmul.f32 v4, v5;
	_ =	sdelay $0x1  }
0x76: {  	v6 =	vmul.f32 v4, v6;
	_ =	sdelay $0x1  }
0x77: {  	v6 =	vsub.f32 $1.500000000e+00, v6;
	_ =	sdelay $0x1  }
0x78: {  	v4 =	vmul.f32 v4, v6;
	_ =	sdelay $0x1  }
0x79: {  	v6 =	vmul.f32 v4, v5;
	_ =	sdelay $0x1  }
0x7a: {  	v6 =	vmul.f32 v6, v4;
	_ =	sdelay $0x1  }
0x7b: {  	v6 =	vsub.f32 $1.500000000e+00, v6;
	_ =	sdelay $0x1  }
0x7c: {  	v4 =	vmul.f32 v6, v4;
	_ =	sdelay $0x1  }
0x7d: {  	v5 =	vmul.f32 v4, v5;
	_ =	sdelay $0x1  }
0x7e: {  	v5 =	vmul.f32 v5, v4;
	_ =	sdelay $0x1  }
0x7f: {  	s25 =	sadd.s32 $0x10, s30;
	v5 =	vsub.f32 $1.500000000e+00, v5  }
0x80: {  	v62 =	vld [tilespmem:s25+$0x0]  }
0x81: {  	v4 =	vmul.f32 v5, v4  }
0x82: {  	v63 =	vld [tilespmem:s29+$0x0]  }
0x83: {  	v3 =	vmul.f32 v4, v3;
	_ =	sdelay $0x1  }
0x84: {  	v4 =	vmul.f32 v3, v62  }
0x85: {  	v3 =	vadd.f32 $-1.000000000e+00, v3  }
0x86: {  	v4 =	vsub.f32 v63, v4  }
0x87: {  	s29 =	sadd.s32 $0x10, s26;
	v3 =	vmul.f32 v3, v2  }
0x88: {  	s4 =	sand.u32 $0x1F80, s28;
	s0 =	sand.u32 $0x30, s29;
	v2 =	vmul.f32 v4, v2  }
0x89: {  	s0 =	sor.u32 s0, s4;
	v3 =	vadd.f32 $1.000000000e+00, v3  }
0x8a: {  	s30 =	sand.u32 $0x780, s22;
	[tilespmem:s0+$0x9300] =	vst v2  }
0x8b: {  	s31 =	sor.u32 s24, s30;
	[tilespmem:s0+$0x7300] =	vst v3  }
0x8c: {  	[tilespmem:s31+$0xAC00] =	vst v0  }
0x8d: {  	[tilespmem:s31+$0x8C00] =	vst v0  }
.LBB2_5:
0x8e: {  	p1 =	sne.s32 s23, $0x6E0  }
.Ltmp2:
0x8f: {  	s0 =	sand.u32 $0x780, s23;
	s22 =	sadd.s32 $0x10, s22;
	(pc) =	sbr.rel @p1 .LBB2_5-.Ltmp2, $4  }
0x90: {  	s23 =	sadd.s32 $0x20, s23;
	s4 =	sand.u32 $0x30, s22  }
0x91: {  	s0 =	sor.u32 s4, s0  }
0x92: {  	[tilespmem:s0+$0xAC00] =	vst v0  }
0x93: {  	[tilespmem:s0+$0x8C00] =	vst v0  }
0x94: {  	[hbm4b:s9+s1] =	stream.linear.scatter [tilespmem:s18], [sflag:$0x1], $0x2000, $0x38;
	[tilespmem:$0xB300] =	vst v63  }
0x95: {  	_ =	swait.ge [sflag:s15], $0x2000  }
0x96: {  	[sflag:s15] =	ssyncset.done $0x0  }
0x97: {  	[sflag:s15] =	ssyncadd.s32 $0xFFFFE000  }
0x98: {  	[hbm4b:s10+s1] =	stream.linear.scatter [tilespmem:s19], [sflag:$0x1], $0x2000, $0x38;
	[tilespmem:$0xB300] =	vst v63  }
0x99: {  	_ =	swait.ge [sflag:s15], $0x2000  }
0x9a: {  	[sflag:s15] =	ssyncset.done $0x0  }
0x9b: {  	[sflag:s15] =	ssyncadd.s32 $0xFFFFE000  }
.LBB2_7:
0x9c: {  	s22 =	simm.s32 $0x0  }
0x9d: {  	v3 =	vld [tilespmem:s22+$0x3300];
	_ =	sdelay $0x4  }
0x9e: {  	v2 =	vmul.f32 $1.000000000e+01, v3;
	_ =	sdelay $0x1  }
0x9f: {  	v2 =	vtrunc.f32 v2  }
0xa0: {  	v2 =	vcvt.f32.s32 v2;
	_ =	sdelay $0x1  }
0xa1: {  	vm0 =	vgt.s32 v2, $0x0  }
0xa2: {  	v2 =	vnsel vm0, $0x0, v2  }
0xa3: {  	s0 =	simm.s32 $0x10;
	v4 =	vmin.u32 v2, $0x31  }
0xa4: {  	v2 =	vld [tilespmem:s0+$0x3300];
	v5 =	vadd.s32 $0x1, v4;
	_ =	sdelay $0x3  }
0xa5: {  	v6 =	vld.idx.msk [tilespmem:v4+s14+$0x0], $0xffff  }
0xa6: {  	v7 =	vmul.f32 $1.000000000e+01, v2;
	v5 =	vld.idx.msk [tilespmem:v5+s14+$0x0], $0xffff;
	_ =	sdelay $0x1  }
0xa7: {  	v7 =	vtrunc.f32 v7  }
0xa8: {  	v7 =	vcvt.f32.s32 v7  }
0xa9: {  	vm0 =	vlt.f32 v3, v6  }
0xaa: {  	vm1 =	vgt.s32 v7, $0x0;
	v6 =	vsel vm0, $0xFFFFFFFF, v1;
	vm0 =	vge.f32 v3, v5  }
0xab: {  	v3 =	vnsel vm1, $0x0, v7;
	v4 =	vadd.s32 v6, v4;
	v5 =	vsel vm0, $0x1, v1  }
0xac: {  	v3 =	vmin.u32 v3, $0x31;
	v5 =	vadd.s32 v5, v4  }
0xad: {  	s23 =	simm.s32 $0x20;
	s24 =	simm.s32 $0xC0;
	v4 =	vadd.s32 $0x1, v3;
	vm0 =	vgt.s32 v5, $0x0  }
.LBB2_8:
0xae: {  	p1 =	sne.s32 s24, $0x7FC0;
	v6 =	vld [tilespmem:s23+$0x3300];
	v5 =	vnsel vm0, $0x0, v5  }
0xaf: {  	v5 =	vmin.u32 v5, $0x31  }
0xb0: {  	[tilespmem:s22+$0x5300] =	vst v5;
	s22 =	smov.u32 s0;
	s0 =	smov.u32 s23  }
0xb1: {  	v5 =	vld.idx.msk [tilespmem:v3+s14+$0x0], $0xffff  }
0xb2: {  	v4 =	vld.idx.msk [tilespmem:v4+s14+$0x0], $0xffff  }
0xb3: {  	v7 =	vmul.f32 $1.000000000e+01, v6;
	_ =	sdelay $0x1  }
0xb4: {  	v7 =	vtrunc.f32 v7  }
0xb5: {  	v7 =	vcvt.f32.s32 v7  }
.Ltmp3:
0xb6: {  	vm0 =	vlt.f32 v2, v5;
	(pc) =	sbr.rel @p1 .LBB2_8-.Ltmp3, $4  }
0xb7: {  	v5 =	vsel vm0, $0xFFFFFFFF, v1;
	vm0 =	vge.f32 v2, v4;
	v2 =	vmovc v6;
	vm1 =	vgt.s32 v7, $0x0  }
0xb8: {  	v5 =	vadd.s32 v5, v3;
	v6 =	vsel vm0, $0x1, v1;
	v4 =	vnsel vm1, $0x0, v7  }
0xb9: {  	v5 =	vadd.s32 v6, v5;
	v3 =	vmin.u32 v4, $0x31  }
0xba: {  	s23 =	sshra.s32 s24, $0x2;
	s24 =	sadd.s32 $0x40, s24;
	vm0 =	vgt.s32 v5, $0x0;
	v4 =	vadd.s32 $0x1, v3  }
0xbb: {  	v6 =	vld [tilespmem:s23+$0x3300]  }
0xbc: {  	v5 =	vnsel vm0, $0x0, v5  }
0xbd: {  	v5 =	vmin.u32 v5, $0x31  }
0xbe: {  	[tilespmem:s22+$0x5300] =	vst v5  }
0xbf: {  	v5 =	vld.idx.msk [tilespmem:v3+s14+$0x0], $0xffff  }
0xc0: {  	v4 =	vld.idx.msk [tilespmem:v4+s14+$0x0], $0xffff;
	v7 =	vmul.f32 $1.000000000e+01, v6;
	_ =	sdelay $0x1  }
0xc1: {  	v7 =	vtrunc.f32 v7  }
0xc2: {  	v7 =	vcvt.f32.s32 v7  }
0xc3: {  	vm10 =	vlt.f32 v2, v5  }
0xc4: {  	vm11 =	vge.f32 v2, v4;
	v5 =	vsel vm10, $0xFFFFFFFF, v1;
	vm1 =	vgt.s32 v7, $0x0  }
0xc5: {  	v4 =	vsel vm11, $0x1, v1;
	v3 =	vadd.s32 v5, v3;
	v2 =	vnsel vm1, $0x0, v7  }
0xc6: {  	v3 =	vadd.s32 v4, v3;
	v2 =	vmin.u32 v2, $0x31  }
0xc7: {  	vm12 =	vgt.s32 v3, $0x0;
	v63 =	vadd.s32 $0x1, v2  }
0xc8: {  	v3 =	vnsel vm12, $0x0, v3  }
0xc9: {  	v3 =	vmin.u32 v3, $0x31  }
0xca: {  	[tilespmem:s0+$0x5300] =	vst v3  }
0xcb: {  	v3 =	vld.idx.msk [tilespmem:v2+s14+$0x0], $0xffff  }
0xcc: {  	v4 =	vld.idx.msk [tilespmem:v63+s14+$0x0], $0xffff;
	_ =	sdelay $0x3  }
0xcd: {  	vm13 =	vlt.f32 v6, v3  }
0xce: {  	v3 =	vsel vm13, $0xFFFFFFFF, v1;
	vm14 =	vge.f32 v6, v4  }
0xcf: {  	v2 =	vadd.s32 v3, v2;
	v3 =	vsel vm14, $0x1, v1  }
0xd0: {  	v2 =	vadd.s32 v3, v2  }
0xd1: {  	vm15 =	vgt.s32 v2, $0x0  }
0xd2: {  	s21 =	sadd.s32 $0x1, s21;
	v2 =	vnsel vm15, $0x0, v2  }
0xd3: {  	p1 =	sne.s32 s21, s13;
	v2 =	vmin.u32 v2, $0x31  }
.Ltmp4:
0xd4: {  	[tilespmem:s23+$0x5300] =	vst v2;
	(pc) =	sbr.rel @p1 .LBB2_1-.Ltmp4, $4  }
0xd5: {  	[hbm4b:s12+s1] =	stream.linear.scatter [tilespmem:s20], [sflag:$0x1], $0x2000, $0x38;
	[tilespmem:$0xB300] =	vst v63  }
0xd6: {  	_ =	swait.ge [sflag:s15], $0x2000  }
0xd7: {  	[sflag:s15] =	ssyncset.done $0x0  }
0xd8: {  	[sflag:s15] =	ssyncadd.s32 $0xFFFFE000  }
0xd9: {  	_ =	sfence.sel $0x180000  }
0xda: {  	[bflag:$0x0] =	sbarrier.arrive $0xFFFF  }
0xdb: {  	_ =	strace $0x90000047  }
0xdc: {  	s0 =	stileid.u32;
	[bflag:$0x2] =	sbarrier.arrive $0xFFFF  }
0xdd: {  	p0 =	sne.s32 s0, $0x0;
	s0 =	rddreg [dreg:$0x3]  }
0xde: {  	s0 =	sadd.s32 @!p0 $0x100000, s0  }
0xdf: {  	[sflag:s0] =	ssyncadd.tile.s32 @!p0 $0x1;
	_ =	shalt  }
.Lfunc_end2:
_tile_overlayer_lowered:
.L_overlay_start_2:
0xe0: {  	(tag) =	ssettag $0x2  }
0xe1: {  	s0 =	rddreg [dreg:$0x0];
	s2 =	stileid.u32  }
0xe2: {  	s1 =	rddreg [dreg:$0x1];
	p0 =	sne.s32 s2, $0x0  }
0xe3: {  	s3 =	rddreg [dreg:$0x2];
	[bflag:$0x3] =	sbarrier.arrive $0xFFFF;
	s2 =	simm.s32 @!p0 $0x1C01  }
0xe4: {  	[timem:s3], [sflag:s2] =	dma.local @!p0 [hbm:s0], s1  }
0xe5: {  	s0 =	simm.s32 @!p0 $0x1  }
0xe6: {  	_ =	swait.ge @!p0 [sflag:s0], s1  }
0xe7: {  	s1 =	ssub.s32 @!p0 $0x0, s1;
	[sflag:s0] =	ssyncset.done @!p0 $0x0  }
0xe8: {  	[sflag:s0] =	ssyncadd.s32 @!p0 s1  }
0xe9: {  	[bflag:$0x3] =	sbarrier.arrive $0xFFFF  }
0xea: {  	_ =	shalt  }

</sc_bundles>
